<compile_context>
chip_gen: v7x
topology: tpu7x:2x2x1
jax: 0.10.2.dev20260603
libtpu: 0.0.44.dev20260713+nightly
codegen_flags: <defaults>
</compile_context>

<pallas_src>
import functools

import jax
import jax.numpy as jnp
from jax import lax
from jax.experimental import pallas as pl
from jax.experimental.pallas import tpu as pltpu
from jax.experimental.pallas import tpu_sc as plsc

BATCH = 4
TOTAL_SEQ = 2048
D_MODEL = 1024
N_POS = 68
ROWS = BATCH * N_POS
CHUNK = 16
N_CHUNKS = ROWS // CHUNK


def _vbcast(x):
  return lax.broadcast(x, (16,))


def _sc_gather(table):
  mesh = plsc.VectorSubcoreMesh(core_axis_name="c", subcore_axis_name="s")

  @functools.partial(
      pl.kernel,
      mesh=mesh,
      out_type=jax.ShapeDtypeStruct((ROWS, D_MODEL), jnp.float32),
      scratch_types=[
          pltpu.VMEM((CHUNK,), jnp.int32),
          pltpu.VMEM((8, D_MODEL), jnp.float32),
          pltpu.VMEM((8, D_MODEL), jnp.float32),
          pltpu.SemaphoreType.DMA,
          pltpu.SemaphoreType.DMA,
          pltpu.SemaphoreType.DMA,
      ],
  )
  def k(table_hbm, out_hbm, idx_v, rows_a, rows_b, sem_a, sem_b, sem_o):
    wid = lax.axis_index("s") * 2 + lax.axis_index("c")

    @pl.when(wid < N_CHUNKS)
    def _():
      r = _vbcast(wid * CHUNK) + lax.iota(jnp.int32, 16)
      bj = lax.div(r, _vbcast(jnp.int32(17)))
      kk = r - bj * _vbcast(jnp.int32(17))
      b = lax.div(bj, _vbcast(jnp.int32(4)))
      j = bj - b * _vbcast(jnp.int32(4))
      idx_v[...] = (
          b * _vbcast(jnp.int32(TOTAL_SEQ))
          + j * _vbcast(jnp.int32(512))
          + kk * _vbcast(jnp.int32(30))
      )
      base = wid * CHUNK
      cp_a = pltpu.async_copy(table_hbm.at[idx_v.at[pl.ds(0, 8)]], rows_a, sem_a)
      cp_b = pltpu.async_copy(table_hbm.at[idx_v.at[pl.ds(8, 8)]], rows_b, sem_b)
      cp_a.wait()
      cp_o = pltpu.async_copy(rows_a, out_hbm.at[pl.ds(base, 8)], sem_o)
      cp_b.wait()
      pltpu.sync_copy(rows_b, out_hbm.at[pl.ds(base + 8, 8)])
      cp_o.wait()

  return k(table)


def kernel(hidden_states):
  table = hidden_states.reshape(BATCH * TOTAL_SEQ, D_MODEL)
  out = _sc_gather(table)
  return out.reshape(BATCH, N_POS, D_MODEL)

# --- scband reference (transcript-rebuilt; emitter-appended) ---
"""Pipeline reference for scband-bert-stance-pooler-52922587021497 (READ-ONLY COPY).

The authoritative reference and input builder live on the scoring server;
editing this copy changes nothing except your own understanding.
"""

import jax, jax.numpy as jnp
import numpy as np

MAX_TWEET_NUM = 17
MAX_TWEET_LENGTH = 30
MAX_TWEET_BUCKET = 4
MAX_SEQ_LEN = 512
BATCH = 4
TOTAL_SEQ = MAX_SEQ_LEN * MAX_TWEET_BUCKET  # 2048
D_MODEL = 1024


def _build_positions():
    # first token of first bucket, then CLS-like positions of each tweet in bucket 0
    pos = [0]
    for i in range(1, MAX_TWEET_NUM):
        pos.append(MAX_TWEET_LENGTH * i)
    # remaining buckets
    for j in range(1, MAX_TWEET_BUCKET):
        for k in range(MAX_TWEET_NUM):
            pos.append(MAX_SEQ_LEN * j + MAX_TWEET_LENGTH * k)
    return jnp.asarray(np.array(pos, dtype=np.int32))


def setup_inputs(seed: int = 0) -> dict:
    key = jax.random.key(seed)
    hidden_states = jax.random.normal(key, (BATCH, TOTAL_SEQ, D_MODEL), dtype=jnp.float32)
    return {"hidden_states": hidden_states}


def reference(hidden_states) -> jnp.ndarray:
    # Faithful translation: the torch code builds output by repeatedly
    # concatenating hidden_states[:, pos].unsqueeze(1) along dim=1, which is
    # exactly a gather of the static position list along the sequence axis.
    idx = _build_positions()
    output = jnp.take(hidden_states, idx, axis=1)  # [B, 17*4=68, D]
    return output

if __name__ == "__main__":
    import jax
    _d = setup_inputs()
    print(jax.jit(kernel)(*tuple(_d.values())))

</pallas_src>

<mosaic_0001>
#map = affine_map<(d0, d1) -> (0, 0)>
module attributes {stable_mosaic.version = 14 : i64} {
  func.func @k(%arg0: i32, %arg1: i32, %arg2: memref<8192x1024xf32, #tpu.memory_space<hbm>>, %arg3: memref<272x1024xf32, #tpu.memory_space<hbm>>, %arg4: memref<16xi32, #tpu.memory_space<vmem>>, %arg5: memref<8x1024xf32, #tpu.memory_space<vmem>>, %arg6: memref<8x1024xf32, #tpu.memory_space<vmem>>, %arg7: memref<!tpu.dma_semaphore, #tpu.memory_space<semaphore_mem>>, %arg8: memref<!tpu.dma_semaphore, #tpu.memory_space<semaphore_mem>>, %arg9: memref<!tpu.dma_semaphore, #tpu.memory_space<semaphore_mem>>) attributes {dimension_semantics = [#tpu.dimension_semantics<core_parallel>, #tpu.dimension_semantics<subcore_parallel>], iteration_bounds = array<i64: 2, 16>, scalar_prefetch = 0 : i64, scratch_operands = 6 : i64, tpu.core_type = #tpu.core_type<sc_vector_subcore>, window_params = [{transform_indices = #map}, {transform_indices = #map}]} {
    %mul3A = arith.constant 2 : i32
    %mul3A_0 = arith.muli %arg1, %mul3A : i32
    %add3A = arith.addi %mul3A_0, %arg0 : i32
    %lt3A = arith.constant 17 : i32
    %lt3A_1 = arith.cmpi slt, %add3A, %lt3A : i32
    %convert_element_type3A = arith.extui %lt3A_1 : i1 to i32
    %cond3A = arith.constant 0 : i32
    %cond3A_2 = arith.cmpi ne, %convert_element_type3A, %cond3A : i32
    scf.if %cond3A_2 {
      %mul3A_3 = arith.constant 16 : i32
      %mul3A_4 = arith.muli %add3A, %mul3A_3 : i32
      %broadcast_in_dim3A = vector.broadcast %mul3A_4 : i32 to vector<16xi32>
      %iota3A = tpu.iota {dimensions = array<i32: 0>} : vector<16xi32>
      %add3A_5 = arith.addi %broadcast_in_dim3A, %iota3A : vector<16xi32>
      %broadcast_in_dim3A_6 = arith.constant 17 : i32
      %broadcast_in_dim3A_7 = vector.broadcast %broadcast_in_dim3A_6 : i32 to vector<16xi32>
      %div3A = arith.divsi %add3A_5, %broadcast_in_dim3A_7 : vector<16xi32>
      %broadcast_in_dim3A_8 = arith.constant 17 : i32
      %broadcast_in_dim3A_9 = vector.broadcast %broadcast_in_dim3A_8 : i32 to vector<16xi32>
      %mul3A_10 = arith.muli %div3A, %broadcast_in_dim3A_9 : vector<16xi32>
      %sub3A = arith.subi %add3A_5, %mul3A_10 : vector<16xi32>
      %broadcast_in_dim3A_11 = arith.constant 4 : i32
      %broadcast_in_dim3A_12 = vector.broadcast %broadcast_in_dim3A_11 : i32 to vector<16xi32>
      %div3A_13 = arith.divsi %div3A, %broadcast_in_dim3A_12 : vector<16xi32>
      %broadcast_in_dim3A_14 = arith.constant 4 : i32
      %broadcast_in_dim3A_15 = vector.broadcast %broadcast_in_dim3A_14 : i32 to vector<16xi32>
      %mul3A_16 = arith.muli %div3A_13, %broadcast_in_dim3A_15 : vector<16xi32>
      %sub3A_17 = arith.subi %div3A, %mul3A_16 : vector<16xi32>
      %broadcast_in_dim3A_18 = arith.constant 2048 : i32
      %broadcast_in_dim3A_19 = vector.broadcast %broadcast_in_dim3A_18 : i32 to vector<16xi32>
      %mul3A_20 = arith.muli %div3A_13, %broadcast_in_dim3A_19 : vector<16xi32>
      %broadcast_in_dim3A_21 = arith.constant 512 : i32
      %broadcast_in_dim3A_22 = vector.broadcast %broadcast_in_dim3A_21 : i32 to vector<16xi32>
      %mul3A_23 = arith.muli %sub3A_17, %broadcast_in_dim3A_22 : vector<16xi32>
      %add3A_24 = arith.addi %mul3A_20, %mul3A_23 : vector<16xi32>
      %broadcast_in_dim3A_25 = arith.constant 30 : i32
      %broadcast_in_dim3A_26 = vector.broadcast %broadcast_in_dim3A_25 : i32 to vector<16xi32>
      %mul3A_27 = arith.muli %sub3A, %broadcast_in_dim3A_26 : vector<16xi32>
      %add3A_28 = arith.addi %add3A_24, %mul3A_27 : vector<16xi32>
      %swap3A = arith.constant 0 : index
      %swap3A_29 = tpu.vector_load %arg4[%swap3A] {strides = array<i32>} : memref<16xi32, #tpu.memory_space<vmem>>, vector<16xi32>,
      %swap3A_30 = vector.shape_cast %swap3A_29 : vector<16xi32> to vector<16xi32>
      %swap3A_31 = vector.shape_cast %add3A_28 : vector<16xi32> to vector<16xi32>
      tpu.vector_store %arg4[%swap3A], %swap3A_31 {strides = array<i32>} : memref<16xi32, #tpu.memory_space<vmem>>, vector<16xi32>,
      %mul3A_32 = arith.constant 16 : i32
      %mul3A_33 = arith.muli %add3A, %mul3A_32 : i32
      %dma_start3A = arith.constant 0 : i32
      %dma_start3A_34 = tpu.memref_slice %arg4[%dma_start3A] : memref<16xi32, #tpu.memory_space<vmem>> -> memref<8xi32, #tpu.memory_space<vmem>>
      %dma_start3A_35 = arith.constant 0 : i32
      %dma_start3A_36 = arith.constant 0 : i32
      %dma_start3A_37 = tpu.memref_slice %arg2[%dma_start3A_35, %dma_start3A_36] : memref<8192x1024xf32, #tpu.memory_space<hbm>> -> memref<8192x1024xf32, #tpu.memory_space<hbm>>
      tpu.enqueue_indirect_dma source(%dma_start3A_37 : memref<8192x1024xf32, #tpu.memory_space<hbm>>) target(%arg5 : memref<8x1024xf32, #tpu.memory_space<vmem>>) offsets(%dma_start3A_34 : memref<8xi32, #tpu.memory_space<vmem>>) semaphore(%arg7 : memref<!tpu.dma_semaphore, #tpu.memory_space<semaphore_mem>>)
      %dma_start3A_38 = arith.constant 8 : i32
      %dma_start3A_39 = tpu.memref_slice %arg4[%dma_start3A_38] : memref<16xi32, #tpu.memory_space<vmem>> -> memref<8xi32, #tpu.memory_space<vmem>>
      %dma_start3A_40 = arith.constant 0 : i32
      %dma_start3A_41 = arith.constant 0 : i32
      %dma_start3A_42 = tpu.memref_slice %arg2[%dma_start3A_40, %dma_start3A_41] : memref<8192x1024xf32, #tpu.memory_space<hbm>> -> memref<8192x1024xf32, #tpu.memory_space<hbm>>
      tpu.enqueue_indirect_dma source(%dma_start3A_42 : memref<8192x1024xf32, #tpu.memory_space<hbm>>) target(%arg6 : memref<8x1024xf32, #tpu.memory_space<vmem>>) offsets(%dma_start3A_39 : memref<8xi32, #tpu.memory_space<vmem>>) semaphore(%arg8 : memref<!tpu.dma_semaphore, #tpu.memory_space<semaphore_mem>>)
      %dma_wait3A = arith.constant 0 : i32
      %dma_wait3A_43 = tpu.memref_slice %arg4[%dma_wait3A] : memref<16xi32, #tpu.memory_space<vmem>> -> memref<8xi32, #tpu.memory_space<vmem>>
      %dma_wait3A_44 = arith.constant 0 : i32
      %dma_wait3A_45 = arith.constant 0 : i32
      %dma_wait3A_46 = tpu.memref_slice %arg2[%dma_wait3A_44, %dma_wait3A_45] : memref<8192x1024xf32, #tpu.memory_space<hbm>> -> memref<8192x1024xf32, #tpu.memory_space<hbm>>
      tpu.wait_indirect_dma semaphore(%arg7 : memref<!tpu.dma_semaphore, #tpu.memory_space<semaphore_mem>>) src(%dma_wait3A_46 : memref<8192x1024xf32, #tpu.memory_space<hbm>>) dst(%arg5 : memref<8x1024xf32, #tpu.memory_space<vmem>>)
      %dma_start3A_47 = arith.constant 0 : i32
      %dma_start3A_48 = tpu.memref_slice %arg3[%mul3A_33, %dma_start3A_47] : memref<272x1024xf32, #tpu.memory_space<hbm>> -> memref<8x1024xf32, #tpu.memory_space<hbm>>
      %dma_start3A_49 = arith.constant 0 : i32
      %dma_start3A_50 = tpu.memref_slice %arg3[%mul3A_33, %dma_start3A_49] : memref<272x1024xf32, #tpu.memory_space<hbm>> -> memref<8x1024xf32, #tpu.memory_space<hbm>>
      tpu.enqueue_dma source(%arg5 : memref<8x1024xf32, #tpu.memory_space<vmem>>) target(%dma_start3A_50 : memref<8x1024xf32, #tpu.memory_space<hbm>>) target_semaphore(%arg9 : memref<!tpu.dma_semaphore, #tpu.memory_space<semaphore_mem>>)
      %dma_wait3A_51 = arith.constant 8 : i32
      %dma_wait3A_52 = tpu.memref_slice %arg4[%dma_wait3A_51] : memref<16xi32, #tpu.memory_space<vmem>> -> memref<8xi32, #tpu.memory_space<vmem>>
      %dma_wait3A_53 = arith.constant 0 : i32
      %dma_wait3A_54 = arith.constant 0 : i32
      %dma_wait3A_55 = tpu.memref_slice %arg2[%dma_wait3A_53, %dma_wait3A_54] : memref<8192x1024xf32, #tpu.memory_space<hbm>> -> memref<8192x1024xf32, #tpu.memory_space<hbm>>
      tpu.wait_indirect_dma semaphore(%arg8 : memref<!tpu.dma_semaphore, #tpu.memory_space<semaphore_mem>>) src(%dma_wait3A_55 : memref<8192x1024xf32, #tpu.memory_space<hbm>>) dst(%arg6 : memref<8x1024xf32, #tpu.memory_space<vmem>>)
      %add3A_56 = arith.constant 8 : i32
      %add3A_57 = arith.addi %mul3A_33, %add3A_56 : i32
      "tpu.region"() ({
        %run_scoped3A = tpu.sem_alloc : memref<!tpu.dma_semaphore, #tpu.memory_space<semaphore_mem>>
        %dma_start3A_62 = arith.constant 0 : i32
        %dma_start3A_63 = tpu.memref_slice %arg3[%add3A_57, %dma_start3A_62] : memref<272x1024xf32, #tpu.memory_space<hbm>> -> memref<8x1024xf32, #tpu.memory_space<hbm>>
        %dma_start3A_64 = arith.constant 0 : i32
        %dma_start3A_65 = tpu.memref_slice %arg3[%add3A_57, %dma_start3A_64] : memref<272x1024xf32, #tpu.memory_space<hbm>> -> memref<8x1024xf32, #tpu.memory_space<hbm>>
        tpu.enqueue_dma source(%arg6 : memref<8x1024xf32, #tpu.memory_space<vmem>>) target(%dma_start3A_65 : memref<8x1024xf32, #tpu.memory_space<hbm>>) target_semaphore(%run_scoped3A : memref<!tpu.dma_semaphore, #tpu.memory_space<semaphore_mem>>)
        %dma_wait3A_66 = arith.constant 0 : i32
        %dma_wait3A_67 = tpu.memref_slice %arg3[%add3A_57, %dma_wait3A_66] : memref<272x1024xf32, #tpu.memory_space<hbm>> -> memref<8x1024xf32, #tpu.memory_space<hbm>>
        %dma_wait3A_68 = arith.constant 0 : i32
        %dma_wait3A_69 = tpu.memref_slice %arg3[%add3A_57, %dma_wait3A_68] : memref<272x1024xf32, #tpu.memory_space<hbm>> -> memref<8x1024xf32, #tpu.memory_space<hbm>>
        tpu.wait_dma2 semaphore(%run_scoped3A : memref<!tpu.dma_semaphore, #tpu.memory_space<semaphore_mem>>) src(%arg6 : memref<8x1024xf32, #tpu.memory_space<vmem>>) dst(%dma_wait3A_69 : memref<8x1024xf32, #tpu.memory_space<hbm>>)
        tpu.yield
      }) : () -> ()
      %dma_wait3A_58 = arith.constant 0 : i32
      %dma_wait3A_59 = tpu.memref_slice %arg3[%mul3A_33, %dma_wait3A_58] : memref<272x1024xf32, #tpu.memory_space<hbm>> -> memref<8x1024xf32, #tpu.memory_space<hbm>>
      %dma_wait3A_60 = arith.constant 0 : i32
      %dma_wait3A_61 = tpu.memref_slice %arg3[%mul3A_33, %dma_wait3A_60] : memref<272x1024xf32, #tpu.memory_space<hbm>> -> memref<8x1024xf32, #tpu.memory_space<hbm>>
      tpu.wait_dma2 semaphore(%arg9 : memref<!tpu.dma_semaphore, #tpu.memory_space<semaphore_mem>>) src(%arg5 : memref<8x1024xf32, #tpu.memory_space<vmem>>) dst(%dma_wait3A_61 : memref<8x1024xf32, #tpu.memory_space<hbm>>)
    } else {
    }
    return
  }
}

</mosaic_0001>

<sc_bundles>
// kernel: kernel.3.cloned.1.call-start
scs
__scs_entry_jumppad:
0x0: {  	(pc) =	sbr.rel $0x88, $3  }
0x1: {  	(tag) =	ssettag $0x0;
	lr =	simm.s32 $0x1  }
0x2: {  	[smem:$0x3FA0] =	sst lr;
	_ =	strace $0xD0000000  }
0x3: {  	_ = 	snop  }
0x4: {  	_ = 	snop  }
0x5: {  	_ = 	snop  }
0x6: {  	_ = 	snop  }
0x7: {  	_ = 	snop  }
__scs_overlays_trampoline_lowered:
0x8: {  	[smem:$0x3FAF] =	sst s0  }
0x9: {  	[smem:$0x3FB0] =	sst s1  }
0xa: {  	[smem:$0x3FB1] =	sst s2  }
0xb: {  	[smem:$0x3FB2] =	sst s3  }
0xc: {  	[smem:$0x3FB3] =	sst s4  }
0xd: {  	[smem:$0x3FB4] =	sst s5  }
0xe: {  	[smem:$0x3FB5] =	sst s6  }
0xf: {  	[smem:$0x3FB6] =	sst s7  }
0x10: {  	[smem:$0x3FB7] =	sst s8  }
0x11: {  	[smem:$0x3FB8] =	sst s9;
	s0 =	simm.s32 @!p0 $0x0  }
0x12: {  	s1 =	sld [smem:$0x3F9E];
	s0 =	simm.s32 @p0 $0x1  }
0x13: {  	[smem:$0x3FB9] =	sst s0;
	s0 =	simm.s32 @!p1 $0x0  }
0x14: {  	s2 =	sld [smem:$0x3F9D];
	s0 =	simm.s32 @p1 $0x1  }
0x15: {  	[smem:$0x3FBA] =	sst s0;
	s0 =	simm.s32 @!p2 $0x0  }
0x16: {  	s3 =	sld [smem:$0x3FDB];
	s0 =	simm.s32 @p2 $0x1  }
0x17: {  	s4 =	simm.s32 $0x1BF5;
	[smem:$0x3FBC] =	sst s0  }
0x18: {  	s0 =	sld [smem:$0x3F9F];
	_ =	swait.ge [sflag:s4], $0x0  }
0x19: {  	s7 =	sld [smem:$0x3FA0]  }
0x1a: {  	s8 =	sadd.s32 $0xFFFFE003, lr  }
0x1b: {  	s9 =	sadd.s32 $0xFFFFFEF7, lr;
	s5 =	simm.s32 $0xFFFFFFFF;
	p2 =	slt.u32 s8, $0xFFFFF086  }
0x1c: {  	p1 =	slt.u32 s9, $0xF7A;
	s5 =	simm.s32 @!p2 $0x0  }
0x1d: {  	s5 =	simm.s32 @p1 $0x1;
	p0 =	seq.s32 s7, s2  }
0x1e: {  	s7 =	smul.u32 @!p0 $0xF7A, s2;
	p2 =	seq.s32 @!p0 s5, $0x0  }
0x1f: {  	s9 =	smul.u32 $0xF7A, s1;
	s8 =	simm.s32 @!p0 $0x1BF5;
	p2 =	por !p2, p0  }
0x20: {  	[sflag:s8] =	ssyncset.s32 @!p0 $0xFFFFF086;
	s6 =	sadd.s32 @!p0 s3, s7;
	s7 =	simm.s32 @!p0 $0x108  }
0x21: {  	s3 =	sadd.s32 s3, s9;
	s6 =	sadd.s32 @!p0 $0x88, s6;
	s7 =	simm.s32 @p2 $0x1082  }
0x22: {  	[simem:s7], [sflag:s8] =	dma.local @!p0 [hbm:s6], $0xF7A  }
0x23: {  	s9 =	sor.u32 $0xD0000000, s2;
	s6 =	simm.s32 $0x108;
	_ =	swait.ge @!p0 [sflag:s8], $0x0  }
0x24: {  	s3 =	sadd.s32 $0x88, s3;
	s6 =	simm.s32 @!p1 $0x1082;
	[sflag:s4] =	ssyncset.s32 $0xFFFFF086  }
0x25: {  	[simem:s6], [sflag:s4] =	dma.local [hbm:s3], $0xF7A  }
0x26: {  	[smem:$0x3FA0] =	sst s1;
	(tag) =	ssettag s2;
	_ =	strace s9  }
0x27: {  	s1 =	sld [smem:$0x3FB0]  }
0x28: {  	s2 =	sld [smem:$0x3FB1]  }
0x29: {  	s4 =	sld [smem:$0x3FB3]  }
0x2a: {  	p0 =	seq.s32 s5, $0x0;
	s5 =	sld [smem:$0x3FB4]  }
0x2b: {  	s6 =	sld [smem:$0x3FB5]  }
0x2c: {  	s7 =	sld [smem:$0x3FB6]  }
0x2d: {  	s3 =	simm.s32 $0x108;
	s8 =	sld [smem:$0x3FB7]  }
0x2e: {  	s3 =	simm.s32 @!p0 $0x1082;
	s9 =	sld [smem:$0x3FB8]  }
0x2f: {  	lr =	sadd.s32 s0, s3;
	s0 =	sld [smem:$0x3FAF]  }
0x30: {  	s3 =	sld [smem:$0x3FB2]  }
0x31: {  	[smem:$0x3FBB] =	sst s10  }
0x32: {  	s10 =	sld [smem:$0x3FB9];
	_ =	sdelay $0x3  }
0x33: {  	p0 =	seq.s32 s10, $0x1;
	s10 =	sld [smem:$0x3FBB];
	_ =	sdelay $0x3  }
0x34: {  	[smem:$0x3FBB] =	sst s10  }
0x35: {  	s10 =	sld [smem:$0x3FBA];
	_ =	sdelay $0x3  }
0x36: {  	p1 =	seq.s32 s10, $0x1;
	s10 =	sld [smem:$0x3FBB];
	_ =	sdelay $0x3  }
0x37: {  	[smem:$0x3FBB] =	sst s10  }
0x38: {  	s10 =	sld [smem:$0x3FBC]  }
0x39: {  	_ = 	snop;
	(pc) =	sbr.ind lr, $3  }
0x3a: {  	_ = 	snop  }
0x3b: {  	_ = 	snop  }
0x3c: {  	p2 =	seq.s32 s10, $0x1;
	s10 =	sld [smem:$0x3FBB]  }
0x3d: {  	_ =	shalt  }
0x3e: {  	_ =	shalt  }
0x3f: {  	_ =	shalt  }
0x40: {  	_ =	shalt  }
0x41: {  	_ =	shalt  }
0x42: {  	_ =	shalt  }
0x43: {  	_ =	shalt  }
0x44: {  	_ =	shalt  }
0x45: {  	_ =	shalt  }
0x46: {  	_ =	shalt  }
0x47: {  	_ =	shalt  }
0x48: {  	_ =	shalt  }
0x49: {  	_ =	shalt  }
0x4a: {  	_ =	shalt  }
0x4b: {  	_ =	shalt  }
0x4c: {  	_ =	shalt  }
0x4d: {  	_ =	shalt  }
0x4e: {  	_ =	shalt  }
0x4f: {  	_ =	shalt  }
0x50: {  	_ =	shalt  }
0x51: {  	_ =	shalt  }
0x52: {  	_ =	shalt  }
0x53: {  	_ =	shalt  }
0x54: {  	_ =	shalt  }
0x55: {  	_ =	shalt  }
0x56: {  	_ =	shalt  }
0x57: {  	_ =	shalt  }
0x58: {  	_ =	shalt  }
0x59: {  	_ =	shalt  }
0x5a: {  	_ =	shalt  }
0x5b: {  	_ =	shalt  }
0x5c: {  	_ =	shalt  }
0x5d: {  	_ =	shalt  }
0x5e: {  	_ =	shalt  }
0x5f: {  	_ =	shalt  }
0x60: {  	_ =	shalt  }
0x61: {  	_ =	shalt  }
0x62: {  	_ =	shalt  }
0x63: {  	_ =	shalt  }
0x64: {  	_ =	shalt  }
0x65: {  	_ =	shalt  }
0x66: {  	_ =	shalt  }
0x67: {  	_ =	shalt  }
0x68: {  	_ =	shalt  }
0x69: {  	_ =	shalt  }
0x6a: {  	_ =	shalt  }
0x6b: {  	_ =	shalt  }
0x6c: {  	_ =	shalt  }
0x6d: {  	_ =	shalt  }
0x6e: {  	_ =	shalt  }
0x6f: {  	_ =	shalt  }
0x70: {  	_ =	shalt  }
0x71: {  	_ =	shalt  }
0x72: {  	_ =	shalt  }
0x73: {  	_ =	shalt  }
0x74: {  	_ =	shalt  }
0x75: {  	_ =	shalt  }
0x76: {  	_ =	shalt  }
0x77: {  	_ =	shalt  }
0x78: {  	_ =	shalt  }
0x79: {  	_ =	shalt  }
0x7a: {  	_ =	shalt  }
0x7b: {  	_ =	shalt  }
0x7c: {  	_ =	shalt  }
0x7d: {  	_ =	shalt  }
0x7e: {  	_ =	shalt  }
0x7f: {  	_ =	shalt  }
0x80: {  	_ =	shalt  }
0x81: {  	_ =	shalt  }
0x82: {  	_ =	shalt  }
0x83: {  	_ =	shalt  }
0x84: {  	_ =	shalt  }
0x85: {  	_ =	shalt  }
0x86: {  	_ =	shalt  }
0x87: {  	_ =	shalt  }
.Lfunc_end0:
.L_simem_size_0:
called_computation_lowered:
.L_overlay_start_0:
0x88: {  	s2 =	sld [smem:$0x3FD9]  }
0x89: {  	s3 =	sld [smem:$0x3FFE];
	_ =	sdelay $0x1  }
0x8a: {  	s1 =	srdreg.scid  }
0x8b: {  	s0 =	sand.u32 $0x1, s1  }
0x8c: {  	s18 =	sshll.u32 s0, $0xA;
	s2 =	sadd.s32 s3, s2  }
0x8d: {  	s2 =	sadd.s32 s2, s18  }
0x8e: {  	[smem:$0x3FC7] =	sst s2  }
0x8f: {  	_ = 	snop  }
0x90: {  	s2 =	sld [smem:$0x3FC9]  }
0x91: {  	s19 =	sld [smem:$0x3FD0];
	(tm) =	ssettm $0x1  }
0x92: {  	s4 =	sld [smem:$0x3FFB];
	_ =	sdelay $0x3  }
0x93: {  	_ =	strace s4  }
0x94: {  	s4 =	sld [smem:$0x3FFC];
	_ =	sdelay $0x3  }
0x95: {  	_ =	strace s4  }
0x96: {  	s4 =	sld [smem:$0x3FFD];
	_ =	sdelay $0x3  }
0x97: {  	_ =	strace s4  }
0x98: {  	_ =	strace $0x8FFFFFFF  }
0x99: {  	s20 =	sld [smem:$0x3FDB];
	_ =	sdelay $0x1  }
0x9a: {  	s5 =	simm.s32 $_scs_section_size  }
0x9b: {  	s6 =	simm.s32 $_size__tile_overlayer_lowered;
	s7 =	simm.s32 $_tile_overlayer_lowered  }
0x9c: {  	s23 =	simm.s32 $0x1BFF;
	s22 =	sshll.u32 s7, $0x1;
	s4 =	sadd.s32 s5, s20  }
0x9d: {  	s8 =	simm.s32 $0x0;
	s21 =	sshll.u32 s6, $0x1;
	s6 =	sadd.s32 s22, s4  }
0x9e: {  	[timem:s8], [sflag:s23] =	dma.local [hbm:s6], s21  }
0x9f: {  	_ =	swait.ge [sflag:s23], s21  }
0xa0: {  	s5 =	ssub.s32 $0x0, s21;
	[sflag:s23] =	ssyncset.done $0x0  }
0xa1: {  	[sflag:s23] =	ssyncadd.s32 s5;
	_ =	sdelay $0x1  }
0xa2: {  	s24 =	simm.s32 $0x1B8B  }
0xa3: {  	_ =	swait.ge [sflag:s24], $0x1  }
0xa4: {  	[sflag:s24] =	ssyncset.done $0x0  }
0xa5: {  	s25 =	simm.s32 $0x1B8E;
	[sflag:s24] =	ssyncadd.s32 $0xFFFFFFFF  }
0xa6: {  	s26 =	simm.s32 $execute0_lowered;
	[smem:$0x3FD2] =	sst s25  }
0xa7: {  	s5 =	sshll.u32 s26, $0x1;
	_ =	strace $0x80000046;
	[dreg:$0x1] =	wrdreg $0xFFFFFFFF  }
0xa8: {  	s28 =	simm.s32 $_size_execute0_lowered;
	s4 =	sadd.s32 s4, s5;
	[dreg:$0x0] =	wrdreg $0x0  }
0xa9: {  	s5 =	sshll.u32 s28, $0x1;
	[dreg:$0x2] =	wrdreg s4  }
0xaa: {  	[dreg:$0x3] =	wrdreg s5  }
0xab: {  	[dreg:$0x4] =	wrdreg $0xC0  }
0xac: {  	_ =	task [dreg:s8], $0x5FFFF  }
0xad: {  	[dreg:$0x1] =	wrdreg $0xFFFFFFFF  }
0xae: {  	[dreg:$0x0] =	wrdreg $0x60  }
0xaf: {  	[dreg:$0x2] =	wrdreg s2  }
0xb0: {  	[dreg:$0x3] =	wrdreg s19  }
0xb1: {  	[dreg:$0x4] =	wrdreg $0x9  }
0xb2: {  	_ =	task.clear_ibuf [dreg:s8], $0x5FFFF;
	_ =	strace $0x90000046  }
0xb3: {  	s29 =	simm.s32 $0x9;
	_ =	strace $0x80000048  }
0xb4: {  	_ =	swait.ge [sflag:s29], $0x1  }
0xb5: {  	[sflag:s29] =	ssyncadd.s32 $0xFFFFFFFF  }
0xb6: {  	_ =	strace $0x90000048  }
0xb7: {  	_ =	sfence  }
0xb8: {  	s30 =	sld [smem:$0x0];
	_ =	sdelay $0x2  }
0xb9: {  	s31 =	sshll.u32 s1, $0xD;
	s1 =	sshrl.u32 s1, $0x2  }
0xba: {  	s3 =	sand.u32 $0x4000, s31;
	s1 =	sadd.s32 s1, s30  }
0xbb: {  	s0 =	sor.u32 s3, s0;
	s1 =	sshll.u32 s1, $0x11  }
0xbc: {  	s0 =	sor.u32 s1, s0  }
0xbd: {  	s0 =	sadd.s32 $0x8F2B, s0  }
0xbe: {  	[sflag:s0] =	ssyncadd.remote.s32 $0x1  }
0xbf: {  	_ =	sfence.sel $0xFFFF  }
0xc0: {  	[dreg:$0x0] =	wrdreg $0xFFFFFFFF;
	(pc) =	sbr.abs _section_cstart, $3  }
0xc1: {  	[dreg:$0x1] =	wrdreg $0xFFFFFFFF  }
0xc2: {  	_ =	task.clear_ibuf [dreg:s8], $0x2FFFF;
	_ =	strace $0x9FFFFFFF  }
0xc3: {  	(tm) =	ssettm $0x7FFFFFFF  }
tec
execute0_lowered:
.L_overlay_start_1:
0x0: {  	(tag) =	ssettag $0x1  }
0x1: {  	s1 =	srdreg.scid;
	s0 =	stileid.u32  }
0x2: {  	s4 =	sand.u32 $0x1, s1;
	s5 =	sshll.u32 s0, $0x1  }
0x3: {  	s5 =	sor.u32 s4, s5  }
0x4: {  	p0 =	sgt.u32 s5, $0x10  }
.Ltmp0:
0x5: {  	_ = 	snop;
	(pc) =	sbr.rel @p0 .LBB2_3-.Ltmp0, $4  }
0x6: {  	s2 =	rddreg [dreg:$0x0]  }
0x7: {  	s6 =	rddreg [dreg:$0x1];
	s3 =	simm.s32 $0x0  }
0x8: {  	[smem:$0x7FF] =	sst s3  }
0x9: {  	s1 =	rddreg [dreg:$0x2];
	_ =	strace $0x80000047  }
0xa: {  	s7 =	sshll.u32 s5, $0x4;
	v1 =	vlaneseq.u32  }
0xb: {  	v0 =	vor.u32 s7, v1  }
0xc: {  	v2 =	vmulhi.u32 $0x78787879, v0;
	_ =	sdelay $0x1  }
0xd: {  	s31 =	ssub.s32 $0x2, s4;
	v2 =	vshrl.u32 v2, $0x3  }
0xe: {  	s4 =	sadd.s32 $0x100, s2;
	s8 =	sshll.u32 s5, $0xB;
	s5 =	sadd.s32 $0x200, s2;
	v3 =	vmul.u32 $0xFFFFFFEF, v2  }
0xf: {  	s10 =	simm.s32 $0x80;
	s11 =	simm.s32 $0x880;
	s12 =	simm.s32 $0x1080  }
0x10: {  	s13 =	simm.s32 $0x1880;
	s14 =	simm.s32 $0x2080;
	s15 =	simm.s32 $0x2880;
	v0 =	vadd.s32 v0, v3  }
0x11: {  	s16 =	simm.s32 $0x3080;
	s17 =	simm.s32 $0x3880;
	s18 =	simm.s32 $0x1;
	v0 =	vmul.u32 $0x1E, v0  }
0x12: {  	s19 =	simm.s32 $0x2;
	s20 =	simm.s32 $0x4;
	s9 =	sshrl.u32 s31, $0x1;
	v2 =	vshll.u32 v2, $0x9  }
0x13: {  	s21 =	simm.s32 $0x3;
	s6 =	sadd.s32 s6, s8;
	s9 =	ssub.s32 s31, s9;
	v0 =	vadd.s32 v2, v0;
	v2 =	vshrl.u32 v1, $0x3  }
0x14: {  	vm0 =	vmmov $0xffff;
	s7 =	sadd.s32 $0x300, s2;
	s8 =	sadd.s32 $0x400, s6;
	s9 =	smax.u32 s9, $0x1;
	v1 =	vand.u32 $0x7, v1;
	v2 =	vmul.u32 $0x8, v2  }
.LBB2_2:
0x15: {  	[tilespmem:$0x0] =	vst v0  }
0x16: {  	v3 =	vld.msk [tilespmem:$0x0], $0xff;
	_ =	sdelay $0x4  }
0x17: {  	v4 =	vshll.u32 v3, $0x3  }
0x18: {  	v3 =	vand.u32 $0x7, v3;
	v4 =	vand.u32 $0xFFFFFFC0, v4  }
0x19: {  	v3 =	vor.u32 v3, v4  }
0x1a: {  	v3 =	vperm.xlane v3, v1;
	_ =	sdelay $0x1  }
0x1b: {  	v3 =	vadd.s32 v2, v3;
	_ =	sdelay $0x4  }
0x1c: {  	[tilespmem:s10], [sflag:$0x1] =	stream.indirect_vreg.gather [hbm4b:s2+s3], $0x80, v3, vm0, $0xb8;
	[tilespmem:$0x4080] =	vst v63  }
0x1d: {  	_ = 	snop  }
0x1e: {  	[tilespmem:s11], [sflag:$0x1] =	stream.indirect_vreg.gather [hbm4b:s4+s3], $0x80, v3, vm0, $0xb8;
	[tilespmem:$0x4080] =	vst v63  }
0x1f: {  	_ = 	snop  }
0x20: {  	[tilespmem:s12], [sflag:$0x1] =	stream.indirect_vreg.gather [hbm4b:s5+s3], $0x80, v3, vm0, $0xb8;
	[tilespmem:$0x4080] =	vst v63  }
0x21: {  	_ = 	snop  }
0x22: {  	[tilespmem:s13], [sflag:$0x1] =	stream.indirect_vreg.gather [hbm4b:s7+s3], $0x80, v3, vm0, $0xb8;
	[tilespmem:$0x4080] =	vst v63  }
0x23: {  	v3 =	vld.msk [tilespmem:$0x8], $0xff;
	_ =	sdelay $0x4  }
0x24: {  	v63 =	vshll.u32 v3, $0x3  }
0x25: {  	v3 =	vand.u32 $0x7, v3;
	v4 =	vand.u32 $0xFFFFFFC0, v63  }
0x26: {  	v3 =	vor.u32 v3, v4  }
0x27: {  	v3 =	vperm.xlane v3, v1;
	_ =	sdelay $0x1  }
0x28: {  	v3 =	vadd.s32 v2, v3;
	_ =	sdelay $0x4  }
0x29: {  	[tilespmem:s14], [sflag:$0x2] =	stream.indirect_vreg.gather [hbm4b:s2+s3], $0x80, v3, vm0, $0xb8;
	[tilespmem:$0x4080] =	vst v63  }
0x2a: {  	_ = 	snop  }
0x2b: {  	[tilespmem:s15], [sflag:$0x2] =	stream.indirect_vreg.gather [hbm4b:s4+s3], $0x80, v3, vm0, $0xb8;
	[tilespmem:$0x4080] =	vst v63  }
0x2c: {  	_ = 	snop  }
0x2d: {  	[tilespmem:s16], [sflag:$0x2] =	stream.indirect_vreg.gather [hbm4b:s5+s3], $0x80, v3, vm0, $0xb8;
	[tilespmem:$0x4080] =	vst v63  }
0x2e: {  	_ = 	snop  }
0x2f: {  	[tilespmem:s17], [sflag:$0x2] =	stream.indirect_vreg.gather [hbm4b:s7+s3], $0x80, v3, vm0, $0xb8;
	[tilespmem:$0x4080] =	vst v63  }
0x30: {  	_ =	swait.ge [sflag:s18], $0x2000  }
0x31: {  	[sflag:s18] =	ssyncset.done $0x0  }
0x32: {  	[sflag:s18] =	ssyncadd.s32 $0xFFFFE000  }
0x33: {  	[hbm4b:s6+s3] =	stream.linear.scatter [tilespmem:s10], [sflag:$0x3], $0x2000, $0x38;
	[tilespmem:$0x4080] =	vst v63  }
0x34: {  	_ =	swait.ge [sflag:s19], $0x2000  }
0x35: {  	[sflag:s19] =	ssyncset.done $0x0  }
0x36: {  	[sflag:s19] =	ssyncadd.s32 $0xFFFFE000  }
0x37: {  	[hbm4b:s8+s3] =	stream.linear.scatter [tilespmem:s14], [sflag:$0x4], $0x2000, $0x38;
	[tilespmem:$0x4080] =	vst v63  }
0x38: {  	p0 =	sne.s32 s9, $0x1;
	_ =	swait.ge [sflag:s20], $0x2000  }
.Ltmp1:
0x39: {  	[sflag:s20] =	ssyncset.done $0x0;
	(pc) =	sbr.rel @p0 .LBB2_2-.Ltmp1, $4  }
0x3a: {  	[sflag:s20] =	ssyncadd.s32 $0xFFFFE000  }
0x3b: {  	_ =	swait.ge [sflag:s21], $0x2000  }
0x3c: {  	[sflag:s21] =	ssyncset.done $0x0  }
0x3d: {  	s9 =	sadd.s32 $0xFFFFFFFF, s9;
	[sflag:s21] =	ssyncadd.s32 $0xFFFFE000  }
.LBB2_3:
0x3e: {  	_ =	sfence.sel $0x180000  }
0x3f: {  	[bflag:$0x0] =	sbarrier.arrive $0xFFFF  }
0x40: {  	p0 =	sne.s32 s0, $0x0;
	_ =	strace $0x90000047  }
0x41: {  	s0 =	sadd.s32 @!p0 $0x100000, s1;
	[bflag:$0x2] =	sbarrier.arrive $0xFFFF  }
0x42: {  	[sflag:s0] =	ssyncadd.tile.s32 @!p0 $0x1;
	_ =	shalt  }
.Lfunc_end2:
_tile_overlayer_lowered:
.L_overlay_start_2:
0x43: {  	(tag) =	ssettag $0x2  }
0x44: {  	s0 =	rddreg [dreg:$0x0];
	s2 =	stileid.u32  }
0x45: {  	s1 =	rddreg [dreg:$0x1];
	p0 =	sne.s32 s2, $0x0  }
0x46: {  	s3 =	rddreg [dreg:$0x2];
	[bflag:$0x3] =	sbarrier.arrive $0xFFFF;
	s2 =	simm.s32 @!p0 $0x1C04  }
0x47: {  	[timem:s3], [sflag:s2] =	dma.local @!p0 [hbm:s0], s1  }
0x48: {  	s0 =	simm.s32 @!p0 $0x4  }
0x49: {  	_ =	swait.ge @!p0 [sflag:s0], s1  }
0x4a: {  	s1 =	ssub.s32 @!p0 $0x0, s1;
	[sflag:s0] =	ssyncset.done @!p0 $0x0  }
0x4b: {  	[sflag:s0] =	ssyncadd.s32 @!p0 s1  }
0x4c: {  	[bflag:$0x3] =	sbarrier.arrive $0xFFFF  }
0x4d: {  	_ =	shalt  }

</sc_bundles>
